<compile_context>
chip_gen: v7x
topology: tpu7x:2x2x1
jax: 0.10.2.dev20260603
libtpu: 0.0.44.dev20260713+nightly
codegen_flags: <defaults>
</compile_context>

<pallas_src>
import functools
import jax
import jax.numpy as jnp
from jax import lax
from jax.experimental import pallas as pl
from jax.experimental.pallas import tpu as pltpu
from jax.experimental.pallas import tpu_sc as plsc

_K = 8192
_D = 32
_BETA = 0.25
_N_ROWS = 16384
_NC = 2
_NS = 16
_NW = _NC * _NS
_BPW = _N_ROWS // _NW
_CH = 128
_NCH = _BPW // _CH
_L = 16


def _make_sc_kernel():
    mesh = plsc.VectorSubcoreMesh(core_axis_name="c", subcore_axis_name="s")

    @functools.partial(
        pl.kernel, mesh=mesh,
        compiler_params=pltpu.CompilerParams(use_tc_tiling_on_sc=False),
        out_type=[
            jax.ShapeDtypeStruct((_N_ROWS, _D), jnp.float32),
            jax.ShapeDtypeStruct((_NW, _L), jnp.float32),
        ],
        scratch_types=[
            pltpu.VMEM((_NCH, _CH), jnp.int32),
            pltpu.VMEM((_BPW, _D), jnp.float32),
            pltpu.VMEM((_BPW, _D), jnp.float32),
            pltpu.VMEM((_L,), jnp.float32),
            pltpu.SemaphoreType.DMA,
        ],
    )
    def sc_kernel(table_hbm, idx_hbm, z_hbm, zq_hbm, lp_hbm,
                  idx_v, rows_v, z_v, acc_v, sem):
        wid = lax.axis_index("s") * _NC + lax.axis_index("c")
        base = wid * _BPW
        pltpu.sync_copy(idx_hbm.at[pl.ds(wid * _NCH, _NCH)], idx_v)
        copies = []
        for k in range(_NCH):
            copies.append(pltpu.async_copy(
                table_hbm.at[idx_v.at[k]],
                rows_v.at[pl.ds(k * _CH, _CH)], sem))
        pltpu.sync_copy(z_hbm.at[pl.ds(base, _BPW)], z_v)
        for cp in copies:
            cp.wait()

        def body(r, acc):
            for h in range(_D // _L):
                q = rows_v[r, pl.ds(h * _L, _L)]
                zz = z_v[r, pl.ds(h * _L, _L)]
                rows_v[r, pl.ds(h * _L, _L)] = zz + (q - zz)
                acc = acc + (q - zz) * (q - zz)
            return acc

        acc = lax.fori_loop(0, _BPW, body, jnp.zeros((_L,), jnp.float32))
        acc_v[...] = acc
        pltpu.sync_copy(rows_v, zq_hbm.at[pl.ds(base, _BPW)])
        pltpu.sync_copy(acc_v, lp_hbm.at[wid])

    return sc_kernel


_SC_KERNEL = _make_sc_kernel()


def kernel(z, embedding):
    z_flat = jnp.reshape(z, (-1, _D))
    a = jnp.sum(z_flat ** 2, axis=1, keepdims=True)
    c = jnp.sum(embedding ** 2, axis=0)
    m = jax.lax.dot_general(
        z_flat.astype(jnp.bfloat16), embedding, (((1,), (0,)), ((), ())),
        preferred_element_type=jnp.float32)
    d = a + c - 2.0 * m
    min_encoding_indices = jnp.argmin(d, axis=1)

    table = embedding.T
    idx2d = jnp.reshape(min_encoding_indices, (_NW * _NCH, _CH))
    zq, lp = _SC_KERNEL(table, idx2d, z_flat)
    z_q = jnp.reshape(zq, z.shape)
    mean_sq = jnp.sum(lp) / jnp.float32(_N_ROWS * _D)
    loss = _BETA * mean_sq + mean_sq
    return (z_q, min_encoding_indices, loss)

# --- scband reference (transcript-rebuilt; emitter-appended) ---
"""Pipeline reference for scband-code-book-35545149342217 (READ-ONLY COPY).

The authoritative reference and input builder live on the scoring server;
editing this copy changes nothing except your own understanding.
"""

import jax, jax.numpy as jnp
import numpy as np

NUM_CODEBOOK = 8192
LATENT_DIM = 32
BETA = 0.25


def setup_inputs(seed: int = 0) -> dict:
    key = jax.random.key(seed)
    k1, k2 = jax.random.split(key)
    z = jax.random.normal(k1, (16, 1024, LATENT_DIM), dtype=jnp.float32)
    lim = 1.0 / NUM_CODEBOOK
    embedding = jax.random.uniform(k2, (LATENT_DIM, NUM_CODEBOOK), dtype=jnp.float32, minval=-lim, maxval=lim)
    return {"z": z, "embedding": embedding}


def reference(z, embedding):
    z_flattened = jnp.reshape(z, (-1, LATENT_DIM))
    d = (jnp.sum(z_flattened ** 2, axis=1, keepdims=True)
         + jnp.sum(embedding ** 2, axis=0)
         - 2.0 * jnp.matmul(z_flattened, embedding))
    min_encoding_indices = jnp.argmin(d, axis=1)
    encodings = jax.nn.one_hot(min_encoding_indices, NUM_CODEBOOK, dtype=jnp.float32)
    z_q = jnp.matmul(encodings, embedding.T)
    z_q = jnp.reshape(z_q, z.shape)
    commitment_loss = BETA * jnp.mean((jax.lax.stop_gradient(z_q) - z) ** 2)
    codebook_loss = jnp.mean((z_q - jax.lax.stop_gradient(z)) ** 2)
    loss = commitment_loss + codebook_loss
    z_q = z + jax.lax.stop_gradient(z_q - z)
    return (z_q, min_encoding_indices, loss)

if __name__ == "__main__":
    import jax
    _d = setup_inputs()
    print(jax.jit(kernel)(*tuple(_d.values())))

</pallas_src>

<mosaic_0001>
#map = affine_map<(d0, d1) -> (0, 0)>
module attributes {stable_mosaic.version = 14 : i64} {
  func.func @sc_kernel(%arg0: i32, %arg1: i32, %arg2: memref<8192x32xf32, #tpu.memory_space<hbm>>, %arg3: memref<128x128xi32, #tpu.memory_space<hbm>>, %arg4: memref<16384x32xf32, #tpu.memory_space<hbm>>, %arg5: memref<16384x32xf32, #tpu.memory_space<hbm>>, %arg6: memref<32x16xf32, #tpu.memory_space<hbm>>, %arg7: memref<4x128xi32, #tpu.memory_space<vmem>>, %arg8: memref<512x32xf32, #tpu.memory_space<vmem>>, %arg9: memref<512x32xf32, #tpu.memory_space<vmem>>, %arg10: memref<16xf32, #tpu.memory_space<vmem>>, %arg11: memref<!tpu.dma_semaphore, #tpu.memory_space<semaphore_mem>>) attributes {dimension_semantics = [#tpu.dimension_semantics<core_parallel>, #tpu.dimension_semantics<subcore_parallel>], iteration_bounds = array<i64: 2, 16>, scalar_prefetch = 0 : i64, scratch_operands = 5 : i64, tpu.core_type = #tpu.core_type<sc_vector_subcore>, window_params = [{transform_indices = #map}, {transform_indices = #map}, {transform_indices = #map}, {transform_indices = #map}, {transform_indices = #map}]} {
    %mul3A = arith.constant 2 : i32
    %mul3A_0 = arith.muli %arg1, %mul3A : i32
    %add3A = arith.addi %mul3A_0, %arg0 : i32
    %mul3A_1 = arith.constant 512 : i32
    %mul3A_2 = arith.muli %add3A, %mul3A_1 : i32
    %mul3A_3 = arith.constant 4 : i32
    %mul3A_4 = arith.muli %add3A, %mul3A_3 : i32
    "tpu.region"() ({
      %run_scoped3A = tpu.sem_alloc : memref<!tpu.dma_semaphore, #tpu.memory_space<semaphore_mem>>
      %dma_start3A_92 = arith.constant 0 : i32
      %dma_start3A_93 = tpu.memref_slice %arg3[%mul3A_4, %dma_start3A_92] : memref<128x128xi32, #tpu.memory_space<hbm>> -> memref<4x128xi32, #tpu.memory_space<hbm>>
      %dma_start3A_94 = arith.constant 0 : i32
      %dma_start3A_95 = tpu.memref_slice %arg3[%mul3A_4, %dma_start3A_94] : memref<128x128xi32, #tpu.memory_space<hbm>> -> memref<4x128xi32, #tpu.memory_space<hbm>>
      tpu.enqueue_dma source(%dma_start3A_95 : memref<4x128xi32, #tpu.memory_space<hbm>>) target(%arg7 : memref<4x128xi32, #tpu.memory_space<vmem>>) target_semaphore(%run_scoped3A : memref<!tpu.dma_semaphore, #tpu.memory_space<semaphore_mem>>)
      %dma_wait3A_96 = arith.constant 0 : i32
      %dma_wait3A_97 = tpu.memref_slice %arg3[%mul3A_4, %dma_wait3A_96] : memref<128x128xi32, #tpu.memory_space<hbm>> -> memref<4x128xi32, #tpu.memory_space<hbm>>
      %dma_wait3A_98 = arith.constant 0 : i32
      %dma_wait3A_99 = tpu.memref_slice %arg3[%mul3A_4, %dma_wait3A_98] : memref<128x128xi32, #tpu.memory_space<hbm>> -> memref<4x128xi32, #tpu.memory_space<hbm>>
      tpu.wait_dma2 semaphore(%run_scoped3A : memref<!tpu.dma_semaphore, #tpu.memory_space<semaphore_mem>>) src(%dma_wait3A_99 : memref<4x128xi32, #tpu.memory_space<hbm>>) dst(%arg7 : memref<4x128xi32, #tpu.memory_space<vmem>>)
      tpu.yield
    }) : () -> ()
    %dma_start3A = arith.constant 0 : i32
    %dma_start3A_5 = arith.constant 0 : i32
    %dma_start3A_6 = arith.constant 0 : i32
    %dma_start3A_7 = tpu.memref_slice %arg8[%dma_start3A_5, %dma_start3A_6] : memref<512x32xf32, #tpu.memory_space<vmem>> -> memref<128x32xf32, #tpu.memory_space<vmem>>
    %dma_start3A_8 = arith.constant 0 : i32
    %dma_start3A_9 = tpu.memref_slice %arg7[%dma_start3A, %dma_start3A_8] : memref<4x128xi32, #tpu.memory_space<vmem>> -> memref<1x128xi32, #tpu.memory_space<vmem>>
    %dma_start3A_10 = tpu.memref_squeeze %dma_start3A_9 : memref<1x128xi32, #tpu.memory_space<vmem>> -> memref<128xi32, #tpu.memory_space<vmem>>
    %dma_start3A_11 = arith.constant 0 : i32
    %dma_start3A_12 = arith.constant 0 : i32
    %dma_start3A_13 = tpu.memref_slice %arg2[%dma_start3A_11, %dma_start3A_12] : memref<8192x32xf32, #tpu.memory_space<hbm>> -> memref<8192x32xf32, #tpu.memory_space<hbm>>
    tpu.enqueue_indirect_dma source(%dma_start3A_13 : memref<8192x32xf32, #tpu.memory_space<hbm>>) target(%dma_start3A_7 : memref<128x32xf32, #tpu.memory_space<vmem>>) offsets(%dma_start3A_10 : memref<128xi32, #tpu.memory_space<vmem>>) semaphore(%arg11 : memref<!tpu.dma_semaphore, #tpu.memory_space<semaphore_mem>>)
    %dma_start3A_14 = arith.constant 1 : i32
    %dma_start3A_15 = arith.constant 128 : i32
    %dma_start3A_16 = arith.constant 0 : i32
    %dma_start3A_17 = tpu.memref_slice %arg8[%dma_start3A_15, %dma_start3A_16] : memref<512x32xf32, #tpu.memory_space<vmem>> -> memref<128x32xf32, #tpu.memory_space<vmem>>
    %dma_start3A_18 = arith.constant 0 : i32
    %dma_start3A_19 = tpu.memref_slice %arg7[%dma_start3A_14, %dma_start3A_18] : memref<4x128xi32, #tpu.memory_space<vmem>> -> memref<1x128xi32, #tpu.memory_space<vmem>>
    %dma_start3A_20 = tpu.memref_squeeze %dma_start3A_19 : memref<1x128xi32, #tpu.memory_space<vmem>> -> memref<128xi32, #tpu.memory_space<vmem>>
    %dma_start3A_21 = arith.constant 0 : i32
    %dma_start3A_22 = arith.constant 0 : i32
    %dma_start3A_23 = tpu.memref_slice %arg2[%dma_start3A_21, %dma_start3A_22] : memref<8192x32xf32, #tpu.memory_space<hbm>> -> memref<8192x32xf32, #tpu.memory_space<hbm>>
    tpu.enqueue_indirect_dma source(%dma_start3A_23 : memref<8192x32xf32, #tpu.memory_space<hbm>>) target(%dma_start3A_17 : memref<128x32xf32, #tpu.memory_space<vmem>>) offsets(%dma_start3A_20 : memref<128xi32, #tpu.memory_space<vmem>>) semaphore(%arg11 : memref<!tpu.dma_semaphore, #tpu.memory_space<semaphore_mem>>)
    %dma_start3A_24 = arith.constant 2 : i32
    %dma_start3A_25 = arith.constant 256 : i32
    %dma_start3A_26 = arith.constant 0 : i32
    %dma_start3A_27 = tpu.memref_slice %arg8[%dma_start3A_25, %dma_start3A_26] : memref<512x32xf32, #tpu.memory_space<vmem>> -> memref<128x32xf32, #tpu.memory_space<vmem>>
    %dma_start3A_28 = arith.constant 0 : i32
    %dma_start3A_29 = tpu.memref_slice %arg7[%dma_start3A_24, %dma_start3A_28] : memref<4x128xi32, #tpu.memory_space<vmem>> -> memref<1x128xi32, #tpu.memory_space<vmem>>
    %dma_start3A_30 = tpu.memref_squeeze %dma_start3A_29 : memref<1x128xi32, #tpu.memory_space<vmem>> -> memref<128xi32, #tpu.memory_space<vmem>>
    %dma_start3A_31 = arith.constant 0 : i32
    %dma_start3A_32 = arith.constant 0 : i32
    %dma_start3A_33 = tpu.memref_slice %arg2[%dma_start3A_31, %dma_start3A_32] : memref<8192x32xf32, #tpu.memory_space<hbm>> -> memref<8192x32xf32, #tpu.memory_space<hbm>>
    tpu.enqueue_indirect_dma source(%dma_start3A_33 : memref<8192x32xf32, #tpu.memory_space<hbm>>) target(%dma_start3A_27 : memref<128x32xf32, #tpu.memory_space<vmem>>) offsets(%dma_start3A_30 : memref<128xi32, #tpu.memory_space<vmem>>) semaphore(%arg11 : memref<!tpu.dma_semaphore, #tpu.memory_space<semaphore_mem>>)
    %dma_start3A_34 = arith.constant 3 : i32
    %dma_start3A_35 = arith.constant 384 : i32
    %dma_start3A_36 = arith.constant 0 : i32
    %dma_start3A_37 = tpu.memref_slice %arg8[%dma_start3A_35, %dma_start3A_36] : memref<512x32xf32, #tpu.memory_space<vmem>> -> memref<128x32xf32, #tpu.memory_space<vmem>>
    %dma_start3A_38 = arith.constant 0 : i32
    %dma_start3A_39 = tpu.memref_slice %arg7[%dma_start3A_34, %dma_start3A_38] : memref<4x128xi32, #tpu.memory_space<vmem>> -> memref<1x128xi32, #tpu.memory_space<vmem>>
    %dma_start3A_40 = tpu.memref_squeeze %dma_start3A_39 : memref<1x128xi32, #tpu.memory_space<vmem>> -> memref<128xi32, #tpu.memory_space<vmem>>
    %dma_start3A_41 = arith.constant 0 : i32
    %dma_start3A_42 = arith.constant 0 : i32
    %dma_start3A_43 = tpu.memref_slice %arg2[%dma_start3A_41, %dma_start3A_42] : memref<8192x32xf32, #tpu.memory_space<hbm>> -> memref<8192x32xf32, #tpu.memory_space<hbm>>
    tpu.enqueue_indirect_dma source(%dma_start3A_43 : memref<8192x32xf32, #tpu.memory_space<hbm>>) target(%dma_start3A_37 : memref<128x32xf32, #tpu.memory_space<vmem>>) offsets(%dma_start3A_40 : memref<128xi32, #tpu.memory_space<vmem>>) semaphore(%arg11 : memref<!tpu.dma_semaphore, #tpu.memory_space<semaphore_mem>>)
    "tpu.region"() ({
      %run_scoped3A = tpu.sem_alloc : memref<!tpu.dma_semaphore, #tpu.memory_space<semaphore_mem>>
      %dma_start3A_92 = arith.constant 0 : i32
      %dma_start3A_93 = tpu.memref_slice %arg4[%mul3A_2, %dma_start3A_92] : memref<16384x32xf32, #tpu.memory_space<hbm>> -> memref<512x32xf32, #tpu.memory_space<hbm>>
      %dma_start3A_94 = arith.constant 0 : i32
      %dma_start3A_95 = tpu.memref_slice %arg4[%mul3A_2, %dma_start3A_94] : memref<16384x32xf32, #tpu.memory_space<hbm>> -> memref<512x32xf32, #tpu.memory_space<hbm>>
      tpu.enqueue_dma source(%dma_start3A_95 : memref<512x32xf32, #tpu.memory_space<hbm>>) target(%arg9 : memref<512x32xf32, #tpu.memory_space<vmem>>) target_semaphore(%run_scoped3A : memref<!tpu.dma_semaphore, #tpu.memory_space<semaphore_mem>>)
      %dma_wait3A_96 = arith.constant 0 : i32
      %dma_wait3A_97 = tpu.memref_slice %arg4[%mul3A_2, %dma_wait3A_96] : memref<16384x32xf32, #tpu.memory_space<hbm>> -> memref<512x32xf32, #tpu.memory_space<hbm>>
      %dma_wait3A_98 = arith.constant 0 : i32
      %dma_wait3A_99 = tpu.memref_slice %arg4[%mul3A_2, %dma_wait3A_98] : memref<16384x32xf32, #tpu.memory_space<hbm>> -> memref<512x32xf32, #tpu.memory_space<hbm>>
      tpu.wait_dma2 semaphore(%run_scoped3A : memref<!tpu.dma_semaphore, #tpu.memory_space<semaphore_mem>>) src(%dma_wait3A_99 : memref<512x32xf32, #tpu.memory_space<hbm>>) dst(%arg9 : memref<512x32xf32, #tpu.memory_space<vmem>>)
      tpu.yield
    }) : () -> ()
    %dma_wait3A = arith.constant 0 : i32
    %dma_wait3A_44 = arith.constant 0 : i32
    %dma_wait3A_45 = arith.constant 0 : i32
    %dma_wait3A_46 = tpu.memref_slice %arg8[%dma_wait3A_44, %dma_wait3A_45] : memref<512x32xf32, #tpu.memory_space<vmem>> -> memref<128x32xf32, #tpu.memory_space<vmem>>
    %dma_wait3A_47 = arith.constant 0 : i32
    %dma_wait3A_48 = tpu.memref_slice %arg7[%dma_wait3A, %dma_wait3A_47] : memref<4x128xi32, #tpu.memory_space<vmem>> -> memref<1x128xi32, #tpu.memory_space<vmem>>
    %dma_wait3A_49 = tpu.memref_squeeze %dma_wait3A_48 : memref<1x128xi32, #tpu.memory_space<vmem>> -> memref<128xi32, #tpu.memory_space<vmem>>
    %dma_wait3A_50 = arith.constant 0 : i32
    %dma_wait3A_51 = arith.constant 0 : i32
    %dma_wait3A_52 = tpu.memref_slice %arg2[%dma_wait3A_50, %dma_wait3A_51] : memref<8192x32xf32, #tpu.memory_space<hbm>> -> memref<8192x32xf32, #tpu.memory_space<hbm>>
    tpu.wait_indirect_dma semaphore(%arg11 : memref<!tpu.dma_semaphore, #tpu.memory_space<semaphore_mem>>) src(%dma_wait3A_52 : memref<8192x32xf32, #tpu.memory_space<hbm>>) dst(%dma_wait3A_46 : memref<128x32xf32, #tpu.memory_space<vmem>>)
    %dma_wait3A_53 = arith.constant 1 : i32
    %dma_wait3A_54 = arith.constant 128 : i32
    %dma_wait3A_55 = arith.constant 0 : i32
    %dma_wait3A_56 = tpu.memref_slice %arg8[%dma_wait3A_54, %dma_wait3A_55] : memref<512x32xf32, #tpu.memory_space<vmem>> -> memref<128x32xf32, #tpu.memory_space<vmem>>
    %dma_wait3A_57 = arith.constant 0 : i32
    %dma_wait3A_58 = tpu.memref_slice %arg7[%dma_wait3A_53, %dma_wait3A_57] : memref<4x128xi32, #tpu.memory_space<vmem>> -> memref<1x128xi32, #tpu.memory_space<vmem>>
    %dma_wait3A_59 = tpu.memref_squeeze %dma_wait3A_58 : memref<1x128xi32, #tpu.memory_space<vmem>> -> memref<128xi32, #tpu.memory_space<vmem>>
    %dma_wait3A_60 = arith.constant 0 : i32
    %dma_wait3A_61 = arith.constant 0 : i32
    %dma_wait3A_62 = tpu.memref_slice %arg2[%dma_wait3A_60, %dma_wait3A_61] : memref<8192x32xf32, #tpu.memory_space<hbm>> -> memref<8192x32xf32, #tpu.memory_space<hbm>>
    tpu.wait_indirect_dma semaphore(%arg11 : memref<!tpu.dma_semaphore, #tpu.memory_space<semaphore_mem>>) src(%dma_wait3A_62 : memref<8192x32xf32, #tpu.memory_space<hbm>>) dst(%dma_wait3A_56 : memref<128x32xf32, #tpu.memory_space<vmem>>)
    %dma_wait3A_63 = arith.constant 2 : i32
    %dma_wait3A_64 = arith.constant 256 : i32
    %dma_wait3A_65 = arith.constant 0 : i32
    %dma_wait3A_66 = tpu.memref_slice %arg8[%dma_wait3A_64, %dma_wait3A_65] : memref<512x32xf32, #tpu.memory_space<vmem>> -> memref<128x32xf32, #tpu.memory_space<vmem>>
    %dma_wait3A_67 = arith.constant 0 : i32
    %dma_wait3A_68 = tpu.memref_slice %arg7[%dma_wait3A_63, %dma_wait3A_67] : memref<4x128xi32, #tpu.memory_space<vmem>> -> memref<1x128xi32, #tpu.memory_space<vmem>>
    %dma_wait3A_69 = tpu.memref_squeeze %dma_wait3A_68 : memref<1x128xi32, #tpu.memory_space<vmem>> -> memref<128xi32, #tpu.memory_space<vmem>>
    %dma_wait3A_70 = arith.constant 0 : i32
    %dma_wait3A_71 = arith.constant 0 : i32
    %dma_wait3A_72 = tpu.memref_slice %arg2[%dma_wait3A_70, %dma_wait3A_71] : memref<8192x32xf32, #tpu.memory_space<hbm>> -> memref<8192x32xf32, #tpu.memory_space<hbm>>
    tpu.wait_indirect_dma semaphore(%arg11 : memref<!tpu.dma_semaphore, #tpu.memory_space<semaphore_mem>>) src(%dma_wait3A_72 : memref<8192x32xf32, #tpu.memory_space<hbm>>) dst(%dma_wait3A_66 : memref<128x32xf32, #tpu.memory_space<vmem>>)
    %dma_wait3A_73 = arith.constant 3 : i32
    %dma_wait3A_74 = arith.constant 384 : i32
    %dma_wait3A_75 = arith.constant 0 : i32
    %dma_wait3A_76 = tpu.memref_slice %arg8[%dma_wait3A_74, %dma_wait3A_75] : memref<512x32xf32, #tpu.memory_space<vmem>> -> memref<128x32xf32, #tpu.memory_space<vmem>>
    %dma_wait3A_77 = arith.constant 0 : i32
    %dma_wait3A_78 = tpu.memref_slice %arg7[%dma_wait3A_73, %dma_wait3A_77] : memref<4x128xi32, #tpu.memory_space<vmem>> -> memref<1x128xi32, #tpu.memory_space<vmem>>
    %dma_wait3A_79 = tpu.memref_squeeze %dma_wait3A_78 : memref<1x128xi32, #tpu.memory_space<vmem>> -> memref<128xi32, #tpu.memory_space<vmem>>
    %dma_wait3A_80 = arith.constant 0 : i32
    %dma_wait3A_81 = arith.constant 0 : i32
    %dma_wait3A_82 = tpu.memref_slice %arg2[%dma_wait3A_80, %dma_wait3A_81] : memref<8192x32xf32, #tpu.memory_space<hbm>> -> memref<8192x32xf32, #tpu.memory_space<hbm>>
    tpu.wait_indirect_dma semaphore(%arg11 : memref<!tpu.dma_semaphore, #tpu.memory_space<semaphore_mem>>) src(%dma_wait3A_82 : memref<8192x32xf32, #tpu.memory_space<hbm>>) dst(%dma_wait3A_76 : memref<128x32xf32, #tpu.memory_space<vmem>>)
    %broadcast_in_dim3A = arith.constant 0.000000e+00 : f32
    %broadcast_in_dim3A_83 = vector.broadcast %broadcast_in_dim3A : f32 to vector<16xf32>
    %scan3A = arith.constant 0 : i32
    %scan3A_84 = arith.constant 512 : i32
    %scan3A_85 = arith.addi %scan3A, %scan3A_84 : i32
    %scan3A_86 = arith.constant 1 : i32
    %scan3A_87 = scf.for %scan3A_92 = %scan3A to %scan3A_85 step %scan3A_86 iter_args(%scan3A_93 = %broadcast_in_dim3A_83) -> (vector<16xf32>)  : i32 {
      %get3A = arith.index_cast %scan3A_92 : i32 to index
      %get3A_94 = arith.constant 0 : index
      %get3A_95 = tpu.vector_load %arg8[%get3A, %get3A_94] {strides = array<i32>} : memref<512x32xf32, #tpu.memory_space<vmem>>, vector<1x16xf32>,
      %get3A_96 = vector.shape_cast %get3A_95 : vector<1x16xf32> to vector<16xf32>
      %get3A_97 = arith.index_cast %scan3A_92 : i32 to index
      %get3A_98 = arith.constant 0 : index
      %get3A_99 = tpu.vector_load %arg9[%get3A_97, %get3A_98] {strides = array<i32>} : memref<512x32xf32, #tpu.memory_space<vmem>>, vector<1x16xf32>,
      %get3A_100 = vector.shape_cast %get3A_99 : vector<1x16xf32> to vector<16xf32>
      %sub3A = arith.subf %get3A_96, %get3A_100 : vector<16xf32>
      %add3A_101 = arith.addf %get3A_100, %sub3A : vector<16xf32>
      %swap3A_102 = arith.index_cast %scan3A_92 : i32 to index
      %swap3A_103 = arith.constant 0 : index
      %swap3A_104 = tpu.vector_load %arg8[%swap3A_102, %swap3A_103] {strides = array<i32>} : memref<512x32xf32, #tpu.memory_space<vmem>>, vector<1x16xf32>,
      %swap3A_105 = vector.shape_cast %swap3A_104 : vector<1x16xf32> to vector<16xf32>
      %swap3A_106 = vector.shape_cast %add3A_101 : vector<16xf32> to vector<1x16xf32>
      tpu.vector_store %arg8[%swap3A_102, %swap3A_103], %swap3A_106 {strides = array<i32>} : memref<512x32xf32, #tpu.memory_space<vmem>>, vector<1x16xf32>,
      %sub3A_107 = arith.subf %get3A_96, %get3A_100 : vector<16xf32>
      %sub3A_108 = arith.subf %get3A_96, %get3A_100 : vector<16xf32>
      %mul3A_109 = arith.mulf %sub3A_107, %sub3A_108 : vector<16xf32>
      %add3A_110 = arith.addf %scan3A_93, %mul3A_109 : vector<16xf32>
      %get3A_111 = arith.index_cast %scan3A_92 : i32 to index
      %get3A_112 = arith.constant 16 : index
      %get3A_113 = tpu.vector_load %arg8[%get3A_111, %get3A_112] {strides = array<i32>} : memref<512x32xf32, #tpu.memory_space<vmem>>, vector<1x16xf32>,
      %get3A_114 = vector.shape_cast %get3A_113 : vector<1x16xf32> to vector<16xf32>
      %get3A_115 = arith.index_cast %scan3A_92 : i32 to index
      %get3A_116 = arith.constant 16 : index
      %get3A_117 = tpu.vector_load %arg9[%get3A_115, %get3A_116] {strides = array<i32>} : memref<512x32xf32, #tpu.memory_space<vmem>>, vector<1x16xf32>,
      %get3A_118 = vector.shape_cast %get3A_117 : vector<1x16xf32> to vector<16xf32>
      %sub3A_119 = arith.subf %get3A_114, %get3A_118 : vector<16xf32>
      %add3A_120 = arith.addf %get3A_118, %sub3A_119 : vector<16xf32>
      %swap3A_121 = arith.index_cast %scan3A_92 : i32 to index
      %swap3A_122 = arith.constant 16 : index
      %swap3A_123 = tpu.vector_load %arg8[%swap3A_121, %swap3A_122] {strides = array<i32>} : memref<512x32xf32, #tpu.memory_space<vmem>>, vector<1x16xf32>,
      %swap3A_124 = vector.shape_cast %swap3A_123 : vector<1x16xf32> to vector<16xf32>
      %swap3A_125 = vector.shape_cast %add3A_120 : vector<16xf32> to vector<1x16xf32>
      tpu.vector_store %arg8[%swap3A_121, %swap3A_122], %swap3A_125 {strides = array<i32>} : memref<512x32xf32, #tpu.memory_space<vmem>>, vector<1x16xf32>,
      %sub3A_126 = arith.subf %get3A_114, %get3A_118 : vector<16xf32>
      %sub3A_127 = arith.subf %get3A_114, %get3A_118 : vector<16xf32>
      %mul3A_128 = arith.mulf %sub3A_126, %sub3A_127 : vector<16xf32>
      %add3A_129 = arith.addf %add3A_110, %mul3A_128 : vector<16xf32>
      scf.yield %add3A_129 : vector<16xf32>
    }
    %scan3A_88 = arith.constant 512 : i32
    %swap3A = arith.constant 0 : index
    %swap3A_89 = tpu.vector_load %arg10[%swap3A] {strides = array<i32>} : memref<16xf32, #tpu.memory_space<vmem>>, vector<16xf32>,
    %swap3A_90 = vector.shape_cast %swap3A_89 : vector<16xf32> to vector<16xf32>
    %swap3A_91 = vector.shape_cast %scan3A_87 : vector<16xf32> to vector<16xf32>
    tpu.vector_store %arg10[%swap3A], %swap3A_91 {strides = array<i32>} : memref<16xf32, #tpu.memory_space<vmem>>, vector<16xf32>,
    "tpu.region"() ({
      %run_scoped3A = tpu.sem_alloc : memref<!tpu.dma_semaphore, #tpu.memory_space<semaphore_mem>>
      %dma_start3A_92 = arith.constant 0 : i32
      %dma_start3A_93 = tpu.memref_slice %arg5[%mul3A_2, %dma_start3A_92] : memref<16384x32xf32, #tpu.memory_space<hbm>> -> memref<512x32xf32, #tpu.memory_space<hbm>>
      %dma_start3A_94 = arith.constant 0 : i32
      %dma_start3A_95 = tpu.memref_slice %arg5[%mul3A_2, %dma_start3A_94] : memref<16384x32xf32, #tpu.memory_space<hbm>> -> memref<512x32xf32, #tpu.memory_space<hbm>>
      tpu.enqueue_dma source(%arg8 : memref<512x32xf32, #tpu.memory_space<vmem>>) target(%dma_start3A_95 : memref<512x32xf32, #tpu.memory_space<hbm>>) target_semaphore(%run_scoped3A : memref<!tpu.dma_semaphore, #tpu.memory_space<semaphore_mem>>)
      %dma_wait3A_96 = arith.constant 0 : i32
      %dma_wait3A_97 = tpu.memref_slice %arg5[%mul3A_2, %dma_wait3A_96] : memref<16384x32xf32, #tpu.memory_space<hbm>> -> memref<512x32xf32, #tpu.memory_space<hbm>>
      %dma_wait3A_98 = arith.constant 0 : i32
      %dma_wait3A_99 = tpu.memref_slice %arg5[%mul3A_2, %dma_wait3A_98] : memref<16384x32xf32, #tpu.memory_space<hbm>> -> memref<512x32xf32, #tpu.memory_space<hbm>>
      tpu.wait_dma2 semaphore(%run_scoped3A : memref<!tpu.dma_semaphore, #tpu.memory_space<semaphore_mem>>) src(%arg8 : memref<512x32xf32, #tpu.memory_space<vmem>>) dst(%dma_wait3A_99 : memref<512x32xf32, #tpu.memory_space<hbm>>)
      tpu.yield
    }) : () -> ()
    "tpu.region"() ({
      %run_scoped3A = tpu.sem_alloc : memref<!tpu.dma_semaphore, #tpu.memory_space<semaphore_mem>>
      %dma_start3A_92 = arith.constant 0 : i32
      %dma_start3A_93 = tpu.memref_slice %arg6[%add3A, %dma_start3A_92] : memref<32x16xf32, #tpu.memory_space<hbm>> -> memref<1x16xf32, #tpu.memory_space<hbm>>
      %dma_start3A_94 = tpu.memref_squeeze %dma_start3A_93 : memref<1x16xf32, #tpu.memory_space<hbm>> -> memref<16xf32, #tpu.memory_space<hbm>>
      %dma_start3A_95 = arith.constant 0 : i32
      %dma_start3A_96 = tpu.memref_slice %arg6[%add3A, %dma_start3A_95] : memref<32x16xf32, #tpu.memory_space<hbm>> -> memref<1x16xf32, #tpu.memory_space<hbm>>
      %dma_start3A_97 = tpu.memref_squeeze %dma_start3A_96 : memref<1x16xf32, #tpu.memory_space<hbm>> -> memref<16xf32, #tpu.memory_space<hbm>>
      tpu.enqueue_dma source(%arg10 : memref<16xf32, #tpu.memory_space<vmem>>) target(%dma_start3A_97 : memref<16xf32, #tpu.memory_space<hbm>>) target_semaphore(%run_scoped3A : memref<!tpu.dma_semaphore, #tpu.memory_space<semaphore_mem>>)
      %dma_wait3A_98 = arith.constant 0 : i32
      %dma_wait3A_99 = tpu.memref_slice %arg6[%add3A, %dma_wait3A_98] : memref<32x16xf32, #tpu.memory_space<hbm>> -> memref<1x16xf32, #tpu.memory_space<hbm>>
      %dma_wait3A_100 = tpu.memref_squeeze %dma_wait3A_99 : memref<1x16xf32, #tpu.memory_space<hbm>> -> memref<16xf32, #tpu.memory_space<hbm>>
      %dma_wait3A_101 = arith.constant 0 : i32
      %dma_wait3A_102 = tpu.memref_slice %arg6[%add3A, %dma_wait3A_101] : memref<32x16xf32, #tpu.memory_space<hbm>> -> memref<1x16xf32, #tpu.memory_space<hbm>>
      %dma_wait3A_103 = tpu.memref_squeeze %dma_wait3A_102 : memref<1x16xf32, #tpu.memory_space<hbm>> -> memref<16xf32, #tpu.memory_space<hbm>>
      tpu.wait_dma2 semaphore(%run_scoped3A : memref<!tpu.dma_semaphore, #tpu.memory_space<semaphore_mem>>) src(%arg10 : memref<16xf32, #tpu.memory_space<vmem>>) dst(%dma_wait3A_103 : memref<16xf32, #tpu.memory_space<hbm>>)
      tpu.yield
    }) : () -> ()
    return
  }
}

</mosaic_0001>

<sc_bundles>
// kernel: kernel.3.cloned.1.call-start
scs
__scs_entry_jumppad:
0x0: {  	(pc) =	sbr.rel $0x88, $3  }
0x1: {  	(tag) =	ssettag $0x0;
	lr =	simm.s32 $0x1  }
0x2: {  	[smem:$0x3F9F] =	sst lr;
	_ =	strace $0xD0000000  }
0x3: {  	_ = 	snop  }
0x4: {  	_ = 	snop  }
0x5: {  	_ = 	snop  }
0x6: {  	_ = 	snop  }
0x7: {  	_ = 	snop  }
__scs_overlays_trampoline_lowered:
0x8: {  	[smem:$0x3FAE] =	sst s0  }
0x9: {  	[smem:$0x3FAF] =	sst s1  }
0xa: {  	[smem:$0x3FB0] =	sst s2  }
0xb: {  	[smem:$0x3FB1] =	sst s3  }
0xc: {  	[smem:$0x3FB2] =	sst s4  }
0xd: {  	[smem:$0x3FB3] =	sst s5  }
0xe: {  	[smem:$0x3FB4] =	sst s6  }
0xf: {  	[smem:$0x3FB5] =	sst s7  }
0x10: {  	[smem:$0x3FB6] =	sst s8  }
0x11: {  	[smem:$0x3FB7] =	sst s9;
	s0 =	simm.s32 @!p0 $0x0  }
0x12: {  	s1 =	sld [smem:$0x3F9D];
	s0 =	simm.s32 @p0 $0x1  }
0x13: {  	[smem:$0x3FB8] =	sst s0;
	s0 =	simm.s32 @!p1 $0x0  }
0x14: {  	s2 =	sld [smem:$0x3F9C];
	s0 =	simm.s32 @p1 $0x1  }
0x15: {  	[smem:$0x3FB9] =	sst s0;
	s0 =	simm.s32 @!p2 $0x0  }
0x16: {  	s3 =	sld [smem:$0x3FDB];
	s0 =	simm.s32 @p2 $0x1  }
0x17: {  	s4 =	simm.s32 $0x1BF5;
	[smem:$0x3FBB] =	sst s0  }
0x18: {  	s0 =	sld [smem:$0x3F9E];
	_ =	swait.ge [sflag:s4], $0x0  }
0x19: {  	s7 =	sld [smem:$0x3F9F]  }
0x1a: {  	s8 =	sadd.s32 $0xFFFFE003, lr  }
0x1b: {  	s9 =	sadd.s32 $0xFFFFFEF7, lr;
	s5 =	simm.s32 $0xFFFFFFFF;
	p2 =	slt.u32 s8, $0xFFFFF086  }
0x1c: {  	p1 =	slt.u32 s9, $0xF7A;
	s5 =	simm.s32 @!p2 $0x0  }
0x1d: {  	s5 =	simm.s32 @p1 $0x1;
	p0 =	seq.s32 s7, s2  }
0x1e: {  	s7 =	smul.u32 @!p0 $0xF7A, s2;
	p2 =	seq.s32 @!p0 s5, $0x0  }
0x1f: {  	s9 =	smul.u32 $0xF7A, s1;
	s8 =	simm.s32 @!p0 $0x1BF5;
	p2 =	por !p2, p0  }
0x20: {  	[sflag:s8] =	ssyncset.s32 @!p0 $0xFFFFF086;
	s6 =	sadd.s32 @!p0 s3, s7;
	s7 =	simm.s32 @!p0 $0x108  }
0x21: {  	s3 =	sadd.s32 s3, s9;
	s6 =	sadd.s32 @!p0 $0x88, s6;
	s7 =	simm.s32 @p2 $0x1082  }
0x22: {  	[simem:s7], [sflag:s8] =	dma.local @!p0 [hbm:s6], $0xF7A  }
0x23: {  	s9 =	sor.u32 $0xD0000000, s2;
	s6 =	simm.s32 $0x108;
	_ =	swait.ge @!p0 [sflag:s8], $0x0  }
0x24: {  	s3 =	sadd.s32 $0x88, s3;
	s6 =	simm.s32 @!p1 $0x1082;
	[sflag:s4] =	ssyncset.s32 $0xFFFFF086  }
0x25: {  	[simem:s6], [sflag:s4] =	dma.local [hbm:s3], $0xF7A  }
0x26: {  	[smem:$0x3F9F] =	sst s1;
	(tag) =	ssettag s2;
	_ =	strace s9  }
0x27: {  	s1 =	sld [smem:$0x3FAF]  }
0x28: {  	s2 =	sld [smem:$0x3FB0]  }
0x29: {  	s4 =	sld [smem:$0x3FB2]  }
0x2a: {  	p0 =	seq.s32 s5, $0x0;
	s5 =	sld [smem:$0x3FB3]  }
0x2b: {  	s6 =	sld [smem:$0x3FB4]  }
0x2c: {  	s7 =	sld [smem:$0x3FB5]  }
0x2d: {  	s3 =	simm.s32 $0x108;
	s8 =	sld [smem:$0x3FB6]  }
0x2e: {  	s3 =	simm.s32 @!p0 $0x1082;
	s9 =	sld [smem:$0x3FB7]  }
0x2f: {  	lr =	sadd.s32 s0, s3;
	s0 =	sld [smem:$0x3FAE]  }
0x30: {  	s3 =	sld [smem:$0x3FB1]  }
0x31: {  	[smem:$0x3FBA] =	sst s10  }
0x32: {  	s10 =	sld [smem:$0x3FB8];
	_ =	sdelay $0x3  }
0x33: {  	p0 =	seq.s32 s10, $0x1;
	s10 =	sld [smem:$0x3FBA];
	_ =	sdelay $0x3  }
0x34: {  	[smem:$0x3FBA] =	sst s10  }
0x35: {  	s10 =	sld [smem:$0x3FB9];
	_ =	sdelay $0x3  }
0x36: {  	p1 =	seq.s32 s10, $0x1;
	s10 =	sld [smem:$0x3FBA];
	_ =	sdelay $0x3  }
0x37: {  	[smem:$0x3FBA] =	sst s10  }
0x38: {  	s10 =	sld [smem:$0x3FBB]  }
0x39: {  	_ = 	snop;
	(pc) =	sbr.ind lr, $3  }
0x3a: {  	_ = 	snop  }
0x3b: {  	_ = 	snop  }
0x3c: {  	p2 =	seq.s32 s10, $0x1;
	s10 =	sld [smem:$0x3FBA]  }
0x3d: {  	_ =	shalt  }
0x3e: {  	_ =	shalt  }
0x3f: {  	_ =	shalt  }
0x40: {  	_ =	shalt  }
0x41: {  	_ =	shalt  }
0x42: {  	_ =	shalt  }
0x43: {  	_ =	shalt  }
0x44: {  	_ =	shalt  }
0x45: {  	_ =	shalt  }
0x46: {  	_ =	shalt  }
0x47: {  	_ =	shalt  }
0x48: {  	_ =	shalt  }
0x49: {  	_ =	shalt  }
0x4a: {  	_ =	shalt  }
0x4b: {  	_ =	shalt  }
0x4c: {  	_ =	shalt  }
0x4d: {  	_ =	shalt  }
0x4e: {  	_ =	shalt  }
0x4f: {  	_ =	shalt  }
0x50: {  	_ =	shalt  }
0x51: {  	_ =	shalt  }
0x52: {  	_ =	shalt  }
0x53: {  	_ =	shalt  }
0x54: {  	_ =	shalt  }
0x55: {  	_ =	shalt  }
0x56: {  	_ =	shalt  }
0x57: {  	_ =	shalt  }
0x58: {  	_ =	shalt  }
0x59: {  	_ =	shalt  }
0x5a: {  	_ =	shalt  }
0x5b: {  	_ =	shalt  }
0x5c: {  	_ =	shalt  }
0x5d: {  	_ =	shalt  }
0x5e: {  	_ =	shalt  }
0x5f: {  	_ =	shalt  }
0x60: {  	_ =	shalt  }
0x61: {  	_ =	shalt  }
0x62: {  	_ =	shalt  }
0x63: {  	_ =	shalt  }
0x64: {  	_ =	shalt  }
0x65: {  	_ =	shalt  }
0x66: {  	_ =	shalt  }
0x67: {  	_ =	shalt  }
0x68: {  	_ =	shalt  }
0x69: {  	_ =	shalt  }
0x6a: {  	_ =	shalt  }
0x6b: {  	_ =	shalt  }
0x6c: {  	_ =	shalt  }
0x6d: {  	_ =	shalt  }
0x6e: {  	_ =	shalt  }
0x6f: {  	_ =	shalt  }
0x70: {  	_ =	shalt  }
0x71: {  	_ =	shalt  }
0x72: {  	_ =	shalt  }
0x73: {  	_ =	shalt  }
0x74: {  	_ =	shalt  }
0x75: {  	_ =	shalt  }
0x76: {  	_ =	shalt  }
0x77: {  	_ =	shalt  }
0x78: {  	_ =	shalt  }
0x79: {  	_ =	shalt  }
0x7a: {  	_ =	shalt  }
0x7b: {  	_ =	shalt  }
0x7c: {  	_ =	shalt  }
0x7d: {  	_ =	shalt  }
0x7e: {  	_ =	shalt  }
0x7f: {  	_ =	shalt  }
0x80: {  	_ =	shalt  }
0x81: {  	_ =	shalt  }
0x82: {  	_ =	shalt  }
0x83: {  	_ =	shalt  }
0x84: {  	_ =	shalt  }
0x85: {  	_ =	shalt  }
0x86: {  	_ =	shalt  }
0x87: {  	_ =	shalt  }
.Lfunc_end0:
.L_simem_size_0:
called_computation_lowered:
.L_overlay_start_0:
0x88: {  	s2 =	sld [smem:$0x3FD9]  }
0x89: {  	s3 =	sld [smem:$0x3FFE];
	_ =	sdelay $0x1  }
0x8a: {  	s1 =	srdreg.scid  }
0x8b: {  	s0 =	sand.u32 $0x1, s1  }
0x8c: {  	s14 =	sshll.u32 s0, $0xA;
	s2 =	sadd.s32 s3, s2  }
0x8d: {  	s2 =	sadd.s32 s2, s14  }
0x8e: {  	[smem:$0x3FC6] =	sst s2  }
0x8f: {  	_ = 	snop  }
0x90: {  	s2 =	sld [smem:$0x3FD0];
	_ =	sdelay $0x2  }
0x91: {  	s15 =	simm.s32 $0xA;
	s4 =	simm.s32 $0x10  }
0x92: {  	[smem:s4], [sflag:s15] =	dma.local [hbm:s2], $0x1  }
0x93: {  	_ =	swait.eq [sflag:s15], $0x1  }
0x94: {  	[sflag:s15] =	ssyncset.done $0x0  }
0x95: {  	s16 =	sld [smem:$0x10];
	[sflag:s15] =	ssyncadd.s32 $0xFFFFFFFF  }
0x96: {  	s17 =	sld [smem:$0x11];
	(tm) =	ssettm $0x1  }
0x97: {  	s18 =	sld [smem:$0x3FFB];
	_ =	sdelay $0x3  }
0x98: {  	_ =	strace s18  }
0x99: {  	s4 =	sld [smem:$0x3FFC];
	_ =	sdelay $0x3  }
0x9a: {  	_ =	strace s4  }
0x9b: {  	s4 =	sld [smem:$0x3FFD];
	_ =	sdelay $0x3  }
0x9c: {  	_ =	strace s4  }
0x9d: {  	_ =	strace $0x8FFFFFFF  }
0x9e: {  	s19 =	sld [smem:$0x3FDB];
	_ =	sdelay $0x1  }
0x9f: {  	s5 =	simm.s32 $_scs_section_size  }
0xa0: {  	s6 =	simm.s32 $_size__tile_overlayer_lowered;
	s7 =	simm.s32 $_tile_overlayer_lowered  }
0xa1: {  	s22 =	simm.s32 $0x1BFF;
	s21 =	sshll.u32 s7, $0x1;
	s4 =	sadd.s32 s5, s19  }
0xa2: {  	s8 =	simm.s32 $0x0;
	s20 =	sshll.u32 s6, $0x1;
	s6 =	sadd.s32 s21, s4  }
0xa3: {  	[timem:s8], [sflag:s22] =	dma.local [hbm:s6], s20  }
0xa4: {  	_ =	swait.ge [sflag:s22], s20  }
0xa5: {  	s5 =	ssub.s32 $0x0, s20;
	[sflag:s22] =	ssyncset.done $0x0  }
0xa6: {  	[sflag:s22] =	ssyncadd.s32 s5;
	_ =	sdelay $0x1  }
0xa7: {  	s23 =	simm.s32 $0x1B8B  }
0xa8: {  	_ =	swait.ge [sflag:s23], $0x1  }
0xa9: {  	[sflag:s23] =	ssyncset.done $0x0  }
0xaa: {  	s25 =	simm.s32 $0x1B8E;
	s24 =	sld [smem:$0x3FFE];
	[sflag:s23] =	ssyncadd.s32 $0xFFFFFFFF  }
0xab: {  	s26 =	simm.s32 $execute0_lowered;
	[smem:$0x3FD2] =	sst s25  }
0xac: {  	s6 =	sshll.u32 s26, $0x1;
	_ =	strace $0x80000046;
	[dreg:$0x1] =	wrdreg $0xFFFFFFFF  }
0xad: {  	s28 =	simm.s32 $_size_execute0_lowered;
	s4 =	sadd.s32 s4, s6;
	[dreg:$0x0] =	wrdreg $0x0  }
0xae: {  	s6 =	sshll.u32 s28, $0x1;
	[dreg:$0x2] =	wrdreg s4  }
0xaf: {  	[dreg:$0x3] =	wrdreg s6  }
0xb0: {  	[dreg:$0x4] =	wrdreg $0xC0  }
0xb1: {  	_ =	task [dreg:s8], $0x5FFFF  }
0xb2: {  	[dreg:$0x1] =	wrdreg $0xFFFFFFFF  }
0xb3: {  	[dreg:$0x0] =	wrdreg $0x60  }
0xb4: {  	[dreg:$0x2] =	wrdreg s24  }
0xb5: {  	[dreg:$0x3] =	wrdreg s17  }
0xb6: {  	[dreg:$0x4] =	wrdreg s16  }
0xb7: {  	[dreg:$0x5] =	wrdreg $0x9  }
0xb8: {  	_ =	task.clear_ibuf [dreg:s8], $0x6FFFF;
	_ =	strace $0x90000046  }
0xb9: {  	s29 =	simm.s32 $0x9;
	_ =	strace $0x80000048  }
0xba: {  	_ =	swait.ge [sflag:s29], $0x1  }
0xbb: {  	[sflag:s29] =	ssyncadd.s32 $0xFFFFFFFF  }
0xbc: {  	_ =	strace $0x90000048  }
0xbd: {  	_ =	sfence  }
0xbe: {  	s30 =	sld [smem:$0x0];
	_ =	sdelay $0x2  }
0xbf: {  	s31 =	sshll.u32 s1, $0xD;
	s1 =	sshrl.u32 s1, $0x2  }
0xc0: {  	s3 =	sand.u32 $0x4000, s31;
	s1 =	sadd.s32 s1, s30  }
0xc1: {  	s0 =	sor.u32 s3, s0;
	s1 =	sshll.u32 s1, $0x11  }
0xc2: {  	s0 =	sor.u32 s1, s0  }
0xc3: {  	s0 =	sadd.s32 $0x8F2B, s0  }
0xc4: {  	[sflag:s0] =	ssyncadd.remote.s32 $0x1  }
0xc5: {  	_ =	sfence.sel $0xFFFF  }
0xc6: {  	[dreg:$0x0] =	wrdreg $0xFFFFFFFF;
	(pc) =	sbr.abs _section_cstart, $3  }
0xc7: {  	[dreg:$0x1] =	wrdreg $0xFFFFFFFF  }
0xc8: {  	_ =	task.clear_ibuf [dreg:s8], $0x2FFFF;
	_ =	strace $0x9FFFFFFF  }
0xc9: {  	(tm) =	ssettm $0x7FFFFFFF  }
tec
execute0_lowered:
.L_overlay_start_1:
0x0: {  	(tag) =	ssettag $0x1  }
0x1: {  	s1 =	rddreg [dreg:$0x0]  }
0x2: {  	s4 =	rddreg [dreg:$0x1]  }
0x3: {  	s5 =	rddreg [dreg:$0x2]  }
0x4: {  	s0 =	rddreg [dreg:$0x3]  }
0x5: {  	s6 =	srdreg.scid;
	s2 =	stileid.u32;
	s3 =	simm.s32 $0x0  }
0x6: {  	s12 =	simm.s32 $0x1200;
	s13 =	simm.s32 $0x100;
	s14 =	simm.s32 $0x2200  }
0x7: {  	s15 =	simm.s32 $0x180;
	s16 =	simm.s32 $0x3200;
	s17 =	simm.s32 $0x4200  }
0x8: {  	s18 =	simm.s32 $0x1;
	s19 =	simm.s32 $0x8200;
	s20 =	simm.s32 $0x0  }
0x9: {  	s6 =	sand.u32 $0x1, s6;
	s7 =	sshll.u32 s2, $0x1;
	[smem:$0x7FF] =	sst s3  }
0xa: {  	s7 =	sor.u32 s6, s7;
	_ =	strace $0x80000047;
	s6 =	ssub.s32 $0x2, s6  }
0xb: {  	s8 =	sshll.u32 s7, $0xB;
	s10 =	sshll.u32 s7, $0x1;
	s11 =	sshrl.u32 s6, $0x1  }
0xc: {  	s7 =	sshll.u32 s7, $0x6;
	s9 =	sadd.s32 s8, s1;
	s10 =	sadd.s32 s10, s1  }
0xd: {  	s11 =	ssub.s32 s6, s11;
	s4 =	sadd.s32 s4, s7;
	s5 =	sadd.s32 s5, s8  }
0xe: {  	s6 =	sadd.s32 $0x8000, s9;
	s7 =	sadd.s32 $0x18000, s10;
	s8 =	smax.u32 s11, $0x1  }
0xf: {  	s9 =	simm.s32 $0x2;
	s10 =	simm.s32 $0x80;
	s11 =	simm.s32 $0x200  }
.LBB2_1:
0x10: {  	[tilespmem:s3], [sflag:$0x2] =	stream.linear.gather [hbm4b:s4+s3], $0x200, $0x38;
	[tilespmem:$0x8210] =	vst v63  }
0x11: {  	_ =	swait.ge [sflag:s9], $0x200  }
0x12: {  	[sflag:s9] =	ssyncset.done $0x0  }
0x13: {  	[sflag:s9] =	ssyncadd.s32 $0xFFFFFE00  }
0x14: {  	[tilespmem:s11], [sflag:$0x1] =	stream.indirect.gather [hbm4b:s1+s10], $0x20, s3, s10, $0xb8;
	[tilespmem:$0x8210] =	vst v63  }
0x15: {  	_ = 	snop  }
0x16: {  	[tilespmem:s12], [sflag:$0x1] =	stream.indirect.gather [hbm4b:s1+s10], $0x20, s10, s10, $0xb8;
	[tilespmem:$0x8210] =	vst v63  }
0x17: {  	_ = 	snop  }
0x18: {  	[tilespmem:s14], [sflag:$0x1] =	stream.indirect.gather [hbm4b:s1+s10], $0x20, s13, s10, $0xb8;
	[tilespmem:$0x8210] =	vst v63  }
0x19: {  	_ = 	snop  }
0x1a: {  	[tilespmem:s16], [sflag:$0x1] =	stream.indirect.gather [hbm4b:s1+s10], $0x20, s15, s10, $0xb8;
	[tilespmem:$0x8210] =	vst v63  }
0x1b: {  	_ = 	snop  }
0x1c: {  	[tilespmem:s17], [sflag:$0x2] =	stream.linear.gather [hbm4b:s5+s3], $0x4000, $0x38;
	[tilespmem:$0x8210] =	vst v63  }
0x1d: {  	_ =	swait.ge [sflag:s9], $0x4000  }
0x1e: {  	[sflag:s9] =	ssyncset.done $0x0  }
0x1f: {  	[sflag:s9] =	ssyncadd.s32 $0xFFFFC000  }
0x20: {  	_ =	swait.ge [sflag:s18], $0x1000  }
0x21: {  	[sflag:s18] =	ssyncset.done $0x0  }
0x22: {  	[sflag:s18] =	ssyncadd.s32 $0xFFFFF000  }
0x23: {  	_ =	swait.ge [sflag:s18], $0x1000  }
0x24: {  	[sflag:s18] =	ssyncset.done $0x0  }
0x25: {  	[sflag:s18] =	ssyncadd.s32 $0xFFFFF000  }
0x26: {  	_ =	swait.ge [sflag:s18], $0x1000  }
0x27: {  	[sflag:s18] =	ssyncset.done $0x0  }
0x28: {  	[sflag:s18] =	ssyncadd.s32 $0xFFFFF000  }
0x29: {  	_ =	swait.ge [sflag:s18], $0x1000  }
0x2a: {  	[sflag:s18] =	ssyncset.done $0x0  }
0x2b: {  	s21 =	simm.s32 $0x0;
	[sflag:s18] =	ssyncadd.s32 $0xFFFFF000  }
0x2c: {  	v3 =	vld [tilespmem:s21+$0x4210]  }
0x2d: {  	v0 =	vld [tilespmem:s21+$0x4200]  }
0x2e: {  	v1 =	vld [tilespmem:s21+$0x200]  }
0x2f: {  	v2 =	vld [tilespmem:s21+$0x210];
	_ =	sdelay $0x3  }
0x30: {  	v5 =	vsub.f32 v1, v0  }
0x31: {  	v6 =	vsub.f32 v2, v3  }
0x32: {  	s22 =	simm.s32 $0x20;
	v4 =	vadd.f32 v5, v0;
	v2 =	vmul.f32 v5, v5  }
0x33: {  	s23 =	simm.s32 $0x100;
	v1 =	vimm.f32 $0.0e+00;
	v0 =	vld [tilespmem:s22+$0x4210];
	v5 =	vadd.f32 v6, v3;
	v3 =	vmul.f32 v6, v6  }
.LBB2_2:
0x34: {  	p0 =	sne.s32 s23, $0xFF80;
	v6 =	vld [tilespmem:s22+$0x4200];
	[tilespmem:s21+$0x200] =	vst v4;
	v1 =	vadd.f32 v2, v1  }
0x35: {  	v2 =	vld [tilespmem:s22+$0x200];
	[tilespmem:s21+$0x210] =	vst v5;
	s21 =	smov.u32 s22  }
0x36: {  	v4 =	vld [tilespmem:s21+$0x210];
	v1 =	vadd.f32 v3, v1;
	_ =	sdelay $0x2  }
.Ltmp0:
0x37: {  	(pc) =	sbr.rel @p0 .LBB2_2-.Ltmp0, $4  }
0x38: {  	v2 =	vsub.f32 v2, v6  }
0x39: {  	v3 =	vsub.f32 v4, v0  }
0x3a: {  	s22 =	sshra.s32 s23, $0x2;
	v4 =	vadd.f32 v2, v6;
	v2 =	vmul.f32 v2, v2  }
0x3b: {  	s23 =	sadd.s32 $0x80, s23;
	v5 =	vadd.f32 v3, v0;
	v0 =	vld [tilespmem:s22+$0x4210];
	v3 =	vmul.f32 v3, v3  }
0x3c: {  	v6 =	vld [tilespmem:s22+$0x4200];
	[tilespmem:s21+$0x200] =	vst v4  }
0x3d: {  	v4 =	vld [tilespmem:s22+$0x200]  }
0x3e: {  	[tilespmem:s21+$0x210] =	vst v5  }
0x3f: {  	v5 =	vld [tilespmem:s22+$0x210];
	_ =	sdelay $0x2  }
0x40: {  	v1 =	vadd.f32 v2, v1;
	v62 =	vsub.f32 v4, v6;
	_ =	sdelay $0x1  }
0x41: {  	v1 =	vadd.f32 v3, v1;
	v63 =	vsub.f32 v5, v0;
	v4 =	vmul.f32 v62, v62;
	_ =	sdelay $0x1  }
0x42: {  	v2 =	vadd.f32 v62, v6;
	v5 =	vmul.f32 v63, v63;
	v1 =	vadd.f32 v4, v1  }
0x43: {  	v0 =	vadd.f32 v63, v0  }
0x44: {  	[tilespmem:s22+$0x200] =	vst v2;
	v1 =	vadd.f32 v5, v1  }
0x45: {  	[tilespmem:s22+$0x210] =	vst v0  }
0x46: {  	[tilespmem:$0x8200] =	vst v1  }
0x47: {  	[hbm4b:s6+s3] =	stream.linear.scatter [tilespmem:s11], [sflag:$0x2], $0x4000, $0x38;
	[tilespmem:$0x8210] =	vst v63  }
0x48: {  	s20 =	sadd.s32 $0x1, s20;
	_ =	swait.ge [sflag:s9], $0x4000  }
0x49: {  	p0 =	sne.s32 s20, s8;
	[sflag:s9] =	ssyncset.done $0x0  }
.Ltmp1:
0x4a: {  	[sflag:s9] =	ssyncadd.s32 $0xFFFFC000;
	(pc) =	sbr.rel @p0 .LBB2_1-.Ltmp1, $4  }
0x4b: {  	[hbm4b:s7+s3] =	stream.linear.scatter [tilespmem:s19], [sflag:$0x2], $0x10, $0x38;
	[tilespmem:$0x8210] =	vst v63  }
0x4c: {  	_ =	swait.ge [sflag:s9], $0x10  }
0x4d: {  	[sflag:s9] =	ssyncset.done $0x0  }
0x4e: {  	[sflag:s9] =	ssyncadd.s32 $0xFFFFFFF0  }
0x4f: {  	_ =	sfence.sel $0x180000  }
0x50: {  	[bflag:$0x0] =	sbarrier.arrive $0xFFFF  }
0x51: {  	p0 =	sne.s32 s2, $0x0;
	_ =	strace $0x90000047  }
0x52: {  	s0 =	sadd.s32 @!p0 $0x100000, s0;
	[bflag:$0x2] =	sbarrier.arrive $0xFFFF  }
0x53: {  	[sflag:s0] =	ssyncadd.tile.s32 @!p0 $0x1;
	_ =	shalt  }
.Lfunc_end2:
_tile_overlayer_lowered:
.L_overlay_start_2:
0x54: {  	(tag) =	ssettag $0x2  }
0x55: {  	s0 =	rddreg [dreg:$0x0];
	s2 =	stileid.u32  }
0x56: {  	s1 =	rddreg [dreg:$0x1];
	p0 =	sne.s32 s2, $0x0  }
0x57: {  	s3 =	rddreg [dreg:$0x2];
	[bflag:$0x3] =	sbarrier.arrive $0xFFFF;
	s2 =	simm.s32 @!p0 $0x1C02  }
0x58: {  	[timem:s3], [sflag:s2] =	dma.local @!p0 [hbm:s0], s1  }
0x59: {  	s0 =	simm.s32 @!p0 $0x2  }
0x5a: {  	_ =	swait.ge @!p0 [sflag:s0], s1  }
0x5b: {  	s1 =	ssub.s32 @!p0 $0x0, s1;
	[sflag:s0] =	ssyncset.done @!p0 $0x0  }
0x5c: {  	[sflag:s0] =	ssyncadd.s32 @!p0 s1  }
0x5d: {  	[bflag:$0x3] =	sbarrier.arrive $0xFFFF  }
0x5e: {  	_ =	shalt  }

</sc_bundles>
